<compile_context>
chip_gen: v7x
topology: tpu7x:2x2x1
jax: 0.10.2.dev20260603
libtpu: 0.0.44.dev20260713+nightly
codegen_flags: <defaults>
</compile_context>

<pallas_src>
import functools

import jax
import jax.numpy as jnp
from jax.experimental import pallas as pl
from jax.experimental.pallas import tpu as pltpu

_TOP_K_RATIO = 0.5
_IOU_THR = 0.5
_OUT_P = 200
_OUT_PAD = 256


def _nms_body(K, Kp, R, C, y1_ref, x1_ref, y2_ref, x2_ref, data_ref,
              y1s_ref, x1s_ref, y2s_ref, x2s_ref,
              out_ref, keep_ref, sel_ref):
    y1 = y1_ref[0]
    x1 = x1_ref[0]
    y2 = y2_ref[0]
    x2 = x2_ref[0]
    area = (y2 - y1) * (x2 - x1)

    ar = (jax.lax.broadcasted_iota(jnp.int32, (R, C), 0) * C
          + jax.lax.broadcasted_iota(jnp.int32, (R, C), 1))
    keep_ref[...] = (ar < K).astype(jnp.int32)
    j256 = jax.lax.broadcasted_iota(jnp.int32, (1, _OUT_PAD), 1)
    sel_ref[...] = jnp.zeros((1, _OUT_PAD), jnp.int32)

    def cond(state):
        i, count = state
        return (i < K) & (count < _OUT_P)

    def body(state):
        i, count = state
        keep = keep_ref[...]
        ki = jnp.sum(jnp.where(ar == i, keep, 0))

        @pl.when(ki > 0)
        def _():
            y1i = y1s_ref[0, 0, i]
            x1i = x1s_ref[0, 0, i]
            y2i = y2s_ref[0, 0, i]
            x2i = x2s_ref[0, 0, i]
            ai = (y2i - y1i) * (x2i - x1i)
            ih = jnp.maximum(jnp.minimum(y2i, y2) - jnp.maximum(y1i, y1), 0.0)
            iw = jnp.maximum(jnp.minimum(x2i, x2) - jnp.maximum(x1i, x1), 0.0)
            inter = ih * iw
            union = ai + area - inter
            iou = jnp.where(union > 0.0, inter / union, 0.0)
            sup = (iou > _IOU_THR) & (ar > i)
            keep_ref[...] = jnp.where(sup, 0, keep)
            sel_ref[...] = jnp.where(j256 == count, i, sel_ref[...])

        return i + 1, count + ki

    _, count = jax.lax.while_loop(cond, body, (jnp.int32(0), jnp.int32(0)))

    selv = sel_ref[...]
    last_idx = jnp.sum(jnp.where(j256 == count - 1, selv, 0))
    start = jnp.minimum(K - (_OUT_P - count), last_idx + 1)
    final = jnp.where(j256 < count, selv, start + (j256 - count))
    final = jnp.clip(final, 0, K - 1)

    oh = (jax.lax.broadcasted_iota(jnp.int32, (Kp, _OUT_PAD), 0)
          == final).astype(jnp.float32)
    lhs = data_ref[0]
    out_ref[...] = jnp.dot(lhs, oh,
                           preferred_element_type=jnp.float32)[None]


def kernel(confidence, bboxes):
    B, A = confidence.shape
    K = int(A * _TOP_K_RATIO)
    C = 128
    Kp = ((K + C - 1) // C) * C
    R = Kp // C

    conf_k, idxs = jax.lax.top_k(confidence, K)
    box_idx = jnp.broadcast_to(idxs[:, :, None], (B, K, 4))
    boxes_k = jnp.take_along_axis(bboxes, box_idx, axis=1)

    pad = Kp - K
    confp = jnp.pad(conf_k, ((0, 0), (0, pad)))
    comps = [jnp.pad(boxes_k[:, :, d], ((0, 0), (0, pad))) for d in range(4)]
    data = jnp.stack([confp] + comps, axis=1)
    grids = [c.reshape(B, R, C) for c in comps]

    body = functools.partial(_nms_body, K, Kp, R, C)
    out = pl.pallas_call(
        body,
        grid=(B,),
        in_specs=[pl.BlockSpec((1, R, C), lambda b: (b, 0, 0))] * 4
        + [pl.BlockSpec((1, 5, Kp), lambda b: (b, 0, 0))]
        + [pl.BlockSpec((1, 1, Kp), lambda b: (b, 0, 0),
                        memory_space=pltpu.SMEM)] * 4,
        out_specs=pl.BlockSpec((1, 5, _OUT_PAD), lambda b: (b, 0, 0)),
        out_shape=jax.ShapeDtypeStruct((B, 5, _OUT_PAD), jnp.float32),
        scratch_shapes=[
            pltpu.VMEM((R, C), jnp.int32),
            pltpu.VMEM((1, _OUT_PAD), jnp.int32),
        ],
        compiler_params=pltpu.CompilerParams(
            dimension_semantics=("parallel",)),
    )(*grids, data, *[c.reshape(B, 1, Kp) for c in comps])

    conf_out = out[:, 0, :_OUT_P]
    boxes_out = jnp.moveaxis(out[:, 1:5, :_OUT_P], 1, 2)
    return conf_out, boxes_out

# --- scband reference (transcript-rebuilt; emitter-appended) ---
"""Pipeline reference for scband-non-max-supression-42039139893803 (READ-ONLY COPY).

The authoritative reference and input builder live on the scoring server;
editing this copy changes nothing except your own understanding.
"""

import jax, jax.numpy as jnp
import numpy as np

INIT_TOP_K_RATIO = 0.5
IOU_THRESHOLD = 0.5
OUTPUT_PROPOSALS = 200


def _pairwise_iou(boxes):
    y1, x1, y2, x2 = boxes[:, 0], boxes[:, 1], boxes[:, 2], boxes[:, 3]
    areas = (y2 - y1) * (x2 - x1)
    iy1 = jnp.maximum(y1[:, None], y1[None, :])
    ix1 = jnp.maximum(x1[:, None], x1[None, :])
    iy2 = jnp.minimum(y2[:, None], y2[None, :])
    ix2 = jnp.minimum(x2[:, None], x2[None, :])
    ih = jnp.maximum(iy2 - iy1, 0.0)
    iw = jnp.maximum(ix2 - ix1, 0.0)
    inter = ih * iw
    union = areas[:, None] + areas[None, :] - inter
    return jnp.where(union > 0.0, inter / union, 0.0)


def _nms_indices(boxes, init_top_k, out_p, iou_thr):
    # boxes are already sorted by descending score (post top-k), matching
    # tf.image.non_max_suppression greedy behavior.
    n = boxes.shape[0]
    iou = _pairwise_iou(jax.lax.stop_gradient(boxes))
    ar = jnp.arange(n)
    def body(i, keep):
        sup = keep[i] & (iou[i] > iou_thr) & (ar > i)
        return keep & (~sup)
    keep = jax.lax.fori_loop(0, n, body, jnp.ones((n,), dtype=bool))
    kept_sorted = jnp.sort(jnp.where(keep, ar, n))  # kept indices first, ascending
    count = jnp.sum(keep)
    num_sel = jnp.minimum(count, out_p)
    sel = kept_sorted[:out_p]
    j = jnp.arange(out_p)
    # last_idx = max(concat([NMS_indices, [0]]))
    last_idx = jnp.max(jnp.where(j < num_sel, sel, 0))
    additional = out_p - num_sel
    start = jnp.minimum(init_top_k - additional, last_idx + 1)
    final = jnp.where(j < num_sel, sel, start + (j - num_sel))
    return jnp.clip(final, 0, n - 1)


def _nms_single(conf, boxes, init_top_k, out_p, iou_thr):
    idx = _nms_indices(boxes, init_top_k, out_p, iou_thr)
    return conf[idx], boxes[idx]


def reference(confidence, bboxes):
    B, A = confidence.shape
    init_top_k = int(A * INIT_TOP_K_RATIO)
    # top-k by score per batch element
    idxs = jax.lax.top_k(confidence, init_top_k)[1]
    conf_k = jnp.take_along_axis(confidence, idxs, axis=1)
    box_idx = jnp.broadcast_to(idxs[:, :, None], (B, init_top_k, 4))
    boxes_k = jnp.take_along_axis(bboxes, box_idx, axis=1)
    fn = lambda c, b: _nms_single(c, b, init_top_k, OUTPUT_PROPOSALS, IOU_THRESHOLD)
    conf_out, boxes_out = jax.vmap(fn)(conf_k, boxes_k)
    return conf_out, boxes_out


def setup_inputs(seed: int = 0):
    key = jax.random.key(seed)
    k1, k2 = jax.random.split(key)
    confidence = jax.random.uniform(k1, (8, 5000), dtype=jnp.float32)
    bboxes = jax.random.uniform(k2, (8, 5000, 4), dtype=jnp.float32)
    return {"confidence": confidence, "bboxes": bboxes}

if __name__ == "__main__":
    import jax
    _d = setup_inputs()
    print(jax.jit(kernel)(*tuple(_d.values())))

</pallas_src>

<mosaic_0001>
module attributes {stable_mosaic.version = 14 : i64} {
  func.func @_nms_body(%arg0: i32, %arg1: memref<1x20x128xf32, #tpu.memory_space<vmem>>, %arg2: memref<1x20x128xf32, #tpu.memory_space<vmem>>, %arg3: memref<1x20x128xf32, #tpu.memory_space<vmem>>, %arg4: memref<1x20x128xf32, #tpu.memory_space<vmem>>, %arg5: memref<1x5x2560xf32, #tpu.memory_space<vmem>>, %arg6: memref<1x1x2560xf32, #tpu.memory_space<smem>>, %arg7: memref<1x1x2560xf32, #tpu.memory_space<smem>>, %arg8: memref<1x1x2560xf32, #tpu.memory_space<smem>>, %arg9: memref<1x1x2560xf32, #tpu.memory_space<smem>>, %arg10: memref<1x5x256xf32, #tpu.memory_space<vmem>>, %arg11: memref<20x128xi32, #tpu.memory_space<vmem>>, %arg12: memref<1x256xi32, #tpu.memory_space<vmem>>) attributes {dimension_semantics = [#tpu.dimension_semantics<parallel>], iteration_bounds = array<i64: 8>, scalar_prefetch = 0 : i64, scratch_operands = 2 : i64, tpu.core_type = #tpu.core_type<tc>, window_params = [{transform_indices = @transform_0, window_bounds = array<i64: 1, 20, 128>}, {transform_indices = @transform_1, window_bounds = array<i64: 1, 20, 128>}, {transform_indices = @transform_2, window_bounds = array<i64: 1, 20, 128>}, {transform_indices = @transform_3, window_bounds = array<i64: 1, 20, 128>}, {transform_indices = @transform_4, window_bounds = array<i64: 1, 5, 2560>}, {transform_indices = @transform_5, window_bounds = array<i64: 1, 1, 2560>}, {transform_indices = @transform_6, window_bounds = array<i64: 1, 1, 2560>}, {transform_indices = @transform_7, window_bounds = array<i64: 1, 1, 2560>}, {transform_indices = @transform_8, window_bounds = array<i64: 1, 1, 2560>}, {transform_indices = @transform_9, window_bounds = array<i64: 1, 5, 256>}]} {
    %get3A = arith.constant 0 : index
    %get3A_0 = arith.constant 0 : index
    %get3A_1 = arith.constant 0 : index
    %get3A_2 = vector.load %arg1[%get3A, %get3A_0, %get3A_1] : memref<1x20x128xf32, #tpu.memory_space<vmem>>, vector<1x20x128xf32>
    %get3A_3 = vector.shape_cast %get3A_2 : vector<1x20x128xf32> to vector<20x128xf32>
    %get3A_4 = arith.constant 0 : index
    %get3A_5 = arith.constant 0 : index
    %get3A_6 = arith.constant 0 : index
    %get3A_7 = vector.load %arg2[%get3A_4, %get3A_5, %get3A_6] : memref<1x20x128xf32, #tpu.memory_space<vmem>>, vector<1x20x128xf32>
    %get3A_8 = vector.shape_cast %get3A_7 : vector<1x20x128xf32> to vector<20x128xf32>
    %get3A_9 = arith.constant 0 : index
    %get3A_10 = arith.constant 0 : index
    %get3A_11 = arith.constant 0 : index
    %get3A_12 = vector.load %arg3[%get3A_9, %get3A_10, %get3A_11] : memref<1x20x128xf32, #tpu.memory_space<vmem>>, vector<1x20x128xf32>
    %get3A_13 = vector.shape_cast %get3A_12 : vector<1x20x128xf32> to vector<20x128xf32>
    %get3A_14 = arith.constant 0 : index
    %get3A_15 = arith.constant 0 : index
    %get3A_16 = arith.constant 0 : index
    %get3A_17 = vector.load %arg4[%get3A_14, %get3A_15, %get3A_16] : memref<1x20x128xf32, #tpu.memory_space<vmem>>, vector<1x20x128xf32>
    %get3A_18 = vector.shape_cast %get3A_17 : vector<1x20x128xf32> to vector<20x128xf32>
    %sub3A = arith.subf %get3A_13, %get3A_3 : vector<20x128xf32>
    %sub3A_19 = arith.subf %get3A_18, %get3A_8 : vector<20x128xf32>
    %mul3A = arith.mulf %sub3A, %sub3A_19 : vector<20x128xf32>
    %iota3A = tpu.iota {dimensions = array<i32: 0>} : vector<20x128xi32>
    %mul3A_20 = arith.constant 128 : i32
    %mul3A_21 = vector.broadcast %mul3A_20 : i32 to vector<20x128xi32>
    %mul3A_22 = arith.muli %iota3A, %mul3A_21 : vector<20x128xi32>
    %iota3A_23 = tpu.iota {dimensions = array<i32: 1>} : vector<20x128xi32>
    %add3A = arith.addi %mul3A_22, %iota3A_23 : vector<20x128xi32>
    %lt3A = arith.constant 2500 : i32
    %lt3A_24 = vector.broadcast %lt3A : i32 to vector<20x128xi32>
    %lt3A_25 = arith.cmpi slt, %add3A, %lt3A_24 : vector<20x128xi32>
    %convert_element_type3A = arith.extui %lt3A_25 : vector<20x128xi1> to vector<20x128xi32>
    %swap3A = arith.constant 0 : index
    %swap3A_26 = arith.constant 0 : index
    %swap3A_27 = vector.load %arg11[%swap3A, %swap3A_26] : memref<20x128xi32, #tpu.memory_space<vmem>>, vector<20x128xi32>
    tpu.vector_store %arg11[%swap3A, %swap3A_26], %convert_element_type3A {strides = array<i32>} : memref<20x128xi32, #tpu.memory_space<vmem>>, vector<20x128xi32>,
    %iota3A_28 = tpu.iota {dimensions = array<i32: 1>} : vector<1x256xi32>
    %broadcast_in_dim3A = arith.constant 0 : i32
    %broadcast_in_dim3A_29 = vector.broadcast %broadcast_in_dim3A : i32 to vector<1x256xi32>
    %swap3A_30 = arith.constant 0 : index
    %swap3A_31 = arith.constant 0 : index
    %swap3A_32 = vector.load %arg12[%swap3A_30, %swap3A_31] : memref<1x256xi32, #tpu.memory_space<vmem>>, vector<1x256xi32>
    tpu.vector_store %arg12[%swap3A_30, %swap3A_31], %broadcast_in_dim3A_29 {strides = array<i32>} : memref<1x256xi32, #tpu.memory_space<vmem>>, vector<1x256xi32>,
    %while3A = arith.constant 0 : i32
    %while3A_33 = arith.constant 0 : i32
    %while3A_34:2 = scf.while (%while3A_80 = %while3A, %while3A_81 = %while3A_33) : (i32, i32) -> (i32, i32) {
      %lt3A_82 = arith.constant 2500 : i32
      %lt3A_83 = arith.cmpi slt, %while3A_80, %lt3A_82 : i32
      %lt3A_84 = arith.constant 200 : i32
      %lt3A_85 = arith.cmpi slt, %while3A_81, %lt3A_84 : i32
      %and3A = arith.andi %lt3A_83, %lt3A_85 : i1
      scf.condition(%and3A) %while3A_80, %while3A_81 : i32, i32
    } do {
    ^bb0(%while3A_80: i32, %while3A_81: i32):
      %get3A_82 = arith.constant 0 : index
      %get3A_83 = arith.constant 0 : index
      %get3A_84 = vector.load %arg11[%get3A_82, %get3A_83] : memref<20x128xi32, #tpu.memory_space<vmem>>, vector<20x128xi32>
      %eq3A_85 = vector.broadcast %while3A_80 : i32 to vector<20x128xi32>
      %eq3A_86 = arith.cmpi eq, %add3A, %eq3A_85 : vector<20x128xi32>
      %jit3A_87 = arith.constant 0 : i32
      %broadcast_in_dim3A_88 = vector.broadcast %jit3A_87 : i32 to vector<20x128xi32>
      %select_n3A_89 = arith.select %eq3A_86, %get3A_84, %broadcast_in_dim3A_88 : vector<20x128xi1>, vector<20x128xi32>
      %reduce_sum3A_90 = vector.shape_cast %select_n3A_89 : vector<20x128xi32> to vector<1x20x128xi32>
      %reduce_sum3A_91 = arith.constant dense<0> : vector<1xi32>
      %reduce_sum3A_92 = vector.multi_reduction <add>, %reduce_sum3A_90, %reduce_sum3A_91 [1, 2] : vector<1x20x128xi32> to vector<1xi32>
      %reduce_sum3A_93 = vector.shape_cast %reduce_sum3A_92 : vector<1xi32> to vector<1x1x1xi32>
      %reduce_sum3A_94 = vector.extract %reduce_sum3A_93[0, 0, 0] : i32 from vector<1x1x1xi32>
      %gt3A = arith.constant 0 : i32
      %gt3A_95 = arith.cmpi sgt, %reduce_sum3A_94, %gt3A : i32
      %convert_element_type3A_96 = arith.extui %gt3A_95 : i1 to i32
      %cond3A = arith.constant 0 : i32
      %cond3A_97 = arith.cmpi ne, %convert_element_type3A_96, %cond3A : i32
      scf.if %cond3A_97 {
        %get3A_101 = arith.constant 0 : index
        %get3A_102 = arith.constant 0 : index
        %get3A_103 = arith.index_cast %while3A_80 : i32 to index
        %get3A_104 = memref.load %arg6[%get3A_101, %get3A_102, %get3A_103] : memref<1x1x2560xf32, #tpu.memory_space<smem>>
        %get3A_105 = arith.constant 0 : index
        %get3A_106 = arith.constant 0 : index
        %get3A_107 = arith.index_cast %while3A_80 : i32 to index
        %get3A_108 = memref.load %arg7[%get3A_105, %get3A_106, %get3A_107] : memref<1x1x2560xf32, #tpu.memory_space<smem>>
        %get3A_109 = arith.constant 0 : index
        %get3A_110 = arith.constant 0 : index
        %get3A_111 = arith.index_cast %while3A_80 : i32 to index
        %get3A_112 = memref.load %arg8[%get3A_109, %get3A_110, %get3A_111] : memref<1x1x2560xf32, #tpu.memory_space<smem>>
        %get3A_113 = arith.constant 0 : index
        %get3A_114 = arith.constant 0 : index
        %get3A_115 = arith.index_cast %while3A_80 : i32 to index
        %get3A_116 = memref.load %arg9[%get3A_113, %get3A_114, %get3A_115] : memref<1x1x2560xf32, #tpu.memory_space<smem>>
        %sub3A_117 = arith.subf %get3A_112, %get3A_104 : f32
        %sub3A_118 = arith.subf %get3A_116, %get3A_108 : f32
        %mul3A_119 = arith.mulf %sub3A_117, %sub3A_118 : f32
        %min3A_120 = vector.broadcast %get3A_112 : f32 to vector<20x128xf32>
        %min3A_121 = arith.minimumf %min3A_120, %get3A_13 : vector<20x128xf32>
        %max3A_122 = vector.broadcast %get3A_104 : f32 to vector<20x128xf32>
        %max3A_123 = arith.maximumf %max3A_122, %get3A_3 : vector<20x128xf32>
        %sub3A_124 = arith.subf %min3A_121, %max3A_123 : vector<20x128xf32>
        %max3A_125 = arith.constant 0.000000e+00 : f32
        %max3A_126 = vector.broadcast %max3A_125 : f32 to vector<20x128xf32>
        %max3A_127 = arith.maximumf %sub3A_124, %max3A_126 : vector<20x128xf32>
        %min3A_128 = vector.broadcast %get3A_116 : f32 to vector<20x128xf32>
        %min3A_129 = arith.minimumf %min3A_128, %get3A_18 : vector<20x128xf32>
        %max3A_130 = vector.broadcast %get3A_108 : f32 to vector<20x128xf32>
        %max3A_131 = arith.maximumf %max3A_130, %get3A_8 : vector<20x128xf32>
        %sub3A_132 = arith.subf %min3A_129, %max3A_131 : vector<20x128xf32>
        %max3A_133 = arith.constant 0.000000e+00 : f32
        %max3A_134 = vector.broadcast %max3A_133 : f32 to vector<20x128xf32>
        %max3A_135 = arith.maximumf %sub3A_132, %max3A_134 : vector<20x128xf32>
        %mul3A_136 = arith.mulf %max3A_127, %max3A_135 : vector<20x128xf32>
        %add3A_137 = vector.broadcast %mul3A_119 : f32 to vector<20x128xf32>
        %add3A_138 = arith.addf %add3A_137, %mul3A : vector<20x128xf32>
        %sub3A_139 = arith.subf %add3A_138, %mul3A_136 : vector<20x128xf32>
        %gt3A_140 = arith.constant 0.000000e+00 : f32
        %gt3A_141 = vector.broadcast %gt3A_140 : f32 to vector<20x128xf32>
        %gt3A_142 = arith.cmpf ogt, %sub3A_139, %gt3A_141 : vector<20x128xf32>
        %div3A = arith.divf %mul3A_136, %sub3A_139 : vector<20x128xf32>
        %jit3A_143 = arith.constant 0.000000e+00 : f32
        %broadcast_in_dim3A_144 = vector.broadcast %jit3A_143 : f32 to vector<20x128xf32>
        %select_n3A_145 = arith.select %gt3A_142, %div3A, %broadcast_in_dim3A_144 : vector<20x128xi1>, vector<20x128xf32>
        %gt3A_146 = arith.constant 5.000000e-01 : f32
        %gt3A_147 = vector.broadcast %gt3A_146 : f32 to vector<20x128xf32>
        %gt3A_148 = arith.cmpf ogt, %select_n3A_145, %gt3A_147 : vector<20x128xf32>
        %gt3A_149 = vector.broadcast %while3A_80 : i32 to vector<20x128xi32>
        %gt3A_150 = arith.cmpi sgt, %add3A, %gt3A_149 : vector<20x128xi32>
        %and3A = arith.andi %gt3A_148, %gt3A_150 : vector<20x128xi1>
        %jit3A_151 = arith.constant 0 : i32
        %broadcast_in_dim3A_152 = vector.broadcast %jit3A_151 : i32 to vector<20x128xi32>
        %select_n3A_153 = arith.select %and3A, %broadcast_in_dim3A_152, %get3A_84 : vector<20x128xi1>, vector<20x128xi32>
        %swap3A_154 = arith.constant 0 : index
        %swap3A_155 = arith.constant 0 : index
        %swap3A_156 = vector.load %arg11[%swap3A_154, %swap3A_155] : memref<20x128xi32, #tpu.memory_space<vmem>>, vector<20x128xi32>
        tpu.vector_store %arg11[%swap3A_154, %swap3A_155], %select_n3A_153 {strides = array<i32>} : memref<20x128xi32, #tpu.memory_space<vmem>>, vector<20x128xi32>,
        %eq3A_157 = vector.broadcast %while3A_81 : i32 to vector<1x256xi32>
        %eq3A_158 = arith.cmpi eq, %iota3A_28, %eq3A_157 : vector<1x256xi32>
        %get3A_159 = arith.constant 0 : index
        %get3A_160 = arith.constant 0 : index
        %get3A_161 = vector.load %arg12[%get3A_159, %get3A_160] : memref<1x256xi32, #tpu.memory_space<vmem>>, vector<1x256xi32>
        %broadcast_in_dim3A_162 = vector.broadcast %while3A_80 : i32 to vector<1x256xi32>
        %select_n3A_163 = arith.select %eq3A_158, %broadcast_in_dim3A_162, %get3A_161 : vector<1x256xi1>, vector<1x256xi32>
        %swap3A_164 = arith.constant 0 : index
        %swap3A_165 = arith.constant 0 : index
        %swap3A_166 = vector.load %arg12[%swap3A_164, %swap3A_165] : memref<1x256xi32, #tpu.memory_space<vmem>>, vector<1x256xi32>
        tpu.vector_store %arg12[%swap3A_164, %swap3A_165], %select_n3A_163 {strides = array<i32>} : memref<1x256xi32, #tpu.memory_space<vmem>>, vector<1x256xi32>,
      } else {
      }
      %add3A_98 = arith.constant 1 : i32
      %add3A_99 = arith.addi %while3A_80, %add3A_98 : i32
      %add3A_100 = arith.addi %while3A_81, %reduce_sum3A_94 : i32
      scf.yield %add3A_99, %add3A_100 : i32, i32
    }
    %get3A_35 = arith.constant 0 : index
    %get3A_36 = arith.constant 0 : index
    %get3A_37 = vector.load %arg12[%get3A_35, %get3A_36] : memref<1x256xi32, #tpu.memory_space<vmem>>, vector<1x256xi32>
    %sub3A_38 = arith.constant 1 : i32
    %sub3A_39 = arith.subi %while3A_34#1, %sub3A_38 : i32
    %eq3A = vector.broadcast %sub3A_39 : i32 to vector<1x256xi32>
    %eq3A_40 = arith.cmpi eq, %iota3A_28, %eq3A : vector<1x256xi32>
    %jit3A = arith.constant 0 : i32
    %broadcast_in_dim3A_41 = vector.broadcast %jit3A : i32 to vector<1x256xi32>
    %select_n3A = arith.select %eq3A_40, %get3A_37, %broadcast_in_dim3A_41 : vector<1x256xi1>, vector<1x256xi32>
    %reduce_sum3A = vector.shape_cast %select_n3A : vector<1x256xi32> to vector<1x1x256xi32>
    %reduce_sum3A_42 = arith.constant dense<0> : vector<1xi32>
    %reduce_sum3A_43 = vector.multi_reduction <add>, %reduce_sum3A, %reduce_sum3A_42 [1, 2] : vector<1x1x256xi32> to vector<1xi32>
    %reduce_sum3A_44 = vector.shape_cast %reduce_sum3A_43 : vector<1xi32> to vector<1x1x1xi32>
    %reduce_sum3A_45 = vector.extract %reduce_sum3A_44[0, 0, 0] : i32 from vector<1x1x1xi32>
    %sub3A_46 = arith.constant 200 : i32
    %sub3A_47 = arith.subi %sub3A_46, %while3A_34#1 : i32
    %sub3A_48 = arith.constant 2500 : i32
    %sub3A_49 = arith.subi %sub3A_48, %sub3A_47 : i32
    %add3A_50 = arith.constant 1 : i32
    %add3A_51 = arith.addi %reduce_sum3A_45, %add3A_50 : i32
    %min3A = arith.minsi %sub3A_49, %add3A_51 : i32
    %lt3A_52 = vector.broadcast %while3A_34#1 : i32 to vector<1x256xi32>
    %lt3A_53 = arith.cmpi slt, %iota3A_28, %lt3A_52 : vector<1x256xi32>
    %sub3A_54 = vector.broadcast %while3A_34#1 : i32 to vector<1x256xi32>
    %sub3A_55 = arith.subi %iota3A_28, %sub3A_54 : vector<1x256xi32>
    %add3A_56 = vector.broadcast %min3A : i32 to vector<1x256xi32>
    %add3A_57 = arith.addi %add3A_56, %sub3A_55 : vector<1x256xi32>
    %select_n3A_58 = arith.select %lt3A_53, %get3A_37, %add3A_57 : vector<1x256xi1>, vector<1x256xi32>
    %jit3A_59 = arith.constant 0 : i32
    %jit3A_60 = arith.constant 2499 : i32
    %max3A = vector.broadcast %jit3A_59 : i32 to vector<1x256xi32>
    %max3A_61 = arith.maxsi %max3A, %select_n3A_58 : vector<1x256xi32>
    %min3A_62 = vector.broadcast %jit3A_60 : i32 to vector<1x256xi32>
    %min3A_63 = arith.minsi %min3A_62, %max3A_61 : vector<1x256xi32>
    %iota3A_64 = tpu.iota {dimensions = array<i32: 0>} : vector<2560x256xi32>
    %eq3A_65 = vector.broadcast %min3A_63 : vector<1x256xi32> to vector<2560x256xi32>
    %eq3A_66 = arith.cmpi eq, %iota3A_64, %eq3A_65 : vector<2560x256xi32>
    %convert_element_type3A_67 = arith.extui %eq3A_66 : vector<2560x256xi1> to vector<2560x256xi32>
    %convert_element_type3A_68 = arith.sitofp %convert_element_type3A_67 : vector<2560x256xi32> to vector<2560x256xf32>
    %get3A_69 = arith.constant 0 : index
    %get3A_70 = arith.constant 0 : index
    %get3A_71 = arith.constant 0 : index
    %get3A_72 = vector.load %arg5[%get3A_69, %get3A_70, %get3A_71] : memref<1x5x2560xf32, #tpu.memory_space<vmem>>, vector<1x5x2560xf32>
    %get3A_73 = vector.shape_cast %get3A_72 : vector<1x5x2560xf32> to vector<5x2560xf32>
    %dot_general3A = arith.constant dense<0.000000e+00> : vector<5x256xf32>
    %dot_general3A_74 = tpu.matmul %get3A_73, %convert_element_type3A_68, %dot_general3A {dimension_numbers = #tpu.dot_dimension_numbers<[1], [0], [0], [1], [0, 0, 1, 1], [], []>, transpose_lhs_hint = false} : vector<5x2560xf32>, vector<2560x256xf32>, vector<5x256xf32> -> vector<5x256xf32>
    %broadcast_in_dim3A_75 = vector.shape_cast %dot_general3A_74 : vector<5x256xf32> to vector<1x5x256xf32>
    %swap3A_76 = arith.constant 0 : index
    %swap3A_77 = arith.constant 0 : index
    %swap3A_78 = arith.constant 0 : index
    %swap3A_79 = vector.load %arg10[%swap3A_76, %swap3A_77, %swap3A_78] : memref<1x5x256xf32, #tpu.memory_space<vmem>>, vector<1x5x256xf32>
    tpu.vector_store %arg10[%swap3A_76, %swap3A_77, %swap3A_78], %broadcast_in_dim3A_75 {strides = array<i32>} : memref<1x5x256xf32, #tpu.memory_space<vmem>>, vector<1x5x256xf32>,
    return
  }
  func.func @transform_0(%arg0: i32) -> (i32, i32, i32) {
    %c0_i32 = arith.constant 0 : i32
    %c0_i32_0 = arith.constant 0 : i32
    %c0_i32_1 = arith.constant 0 : i32
    return %arg0, %c0_i32, %c0_i32_0 : i32, i32, i32
  }
  func.func @transform_1(%arg0: i32) -> (i32, i32, i32) {
    %c0_i32 = arith.constant 0 : i32
    %c0_i32_0 = arith.constant 0 : i32
    %c0_i32_1 = arith.constant 0 : i32
    return %arg0, %c0_i32, %c0_i32_0 : i32, i32, i32
  }
  func.func @transform_2(%arg0: i32) -> (i32, i32, i32) {
    %c0_i32 = arith.constant 0 : i32
    %c0_i32_0 = arith.constant 0 : i32
    %c0_i32_1 = arith.constant 0 : i32
    return %arg0, %c0_i32, %c0_i32_0 : i32, i32, i32
  }
  func.func @transform_3(%arg0: i32) -> (i32, i32, i32) {
    %c0_i32 = arith.constant 0 : i32
    %c0_i32_0 = arith.constant 0 : i32
    %c0_i32_1 = arith.constant 0 : i32
    return %arg0, %c0_i32, %c0_i32_0 : i32, i32, i32
  }
  func.func @transform_4(%arg0: i32) -> (i32, i32, i32) {
    %c0_i32 = arith.constant 0 : i32
    %c0_i32_0 = arith.constant 0 : i32
    %c0_i32_1 = arith.constant 0 : i32
    return %arg0, %c0_i32, %c0_i32_0 : i32, i32, i32
  }
  func.func @transform_5(%arg0: i32) -> (i32, i32, i32) {
    %c0_i32 = arith.constant 0 : i32
    %c0_i32_0 = arith.constant 0 : i32
    %c0_i32_1 = arith.constant 0 : i32
    return %arg0, %c0_i32, %c0_i32_0 : i32, i32, i32
  }
  func.func @transform_6(%arg0: i32) -> (i32, i32, i32) {
    %c0_i32 = arith.constant 0 : i32
    %c0_i32_0 = arith.constant 0 : i32
    %c0_i32_1 = arith.constant 0 : i32
    return %arg0, %c0_i32, %c0_i32_0 : i32, i32, i32
  }
  func.func @transform_7(%arg0: i32) -> (i32, i32, i32) {
    %c0_i32 = arith.constant 0 : i32
    %c0_i32_0 = arith.constant 0 : i32
    %c0_i32_1 = arith.constant 0 : i32
    return %arg0, %c0_i32, %c0_i32_0 : i32, i32, i32
  }
  func.func @transform_8(%arg0: i32) -> (i32, i32, i32) {
    %c0_i32 = arith.constant 0 : i32
    %c0_i32_0 = arith.constant 0 : i32
    %c0_i32_1 = arith.constant 0 : i32
    return %arg0, %c0_i32, %c0_i32_0 : i32, i32, i32
  }
  func.func @transform_9(%arg0: i32) -> (i32, i32, i32) {
    %c0_i32 = arith.constant 0 : i32
    %c0_i32_0 = arith.constant 0 : i32
    %c0_i32_1 = arith.constant 0 : i32
    return %arg0, %c0_i32, %c0_i32_0 : i32, i32, i32
  }
}

</mosaic_0001>

<sc_bundles>
// kernel: gather_offload_async_start
scs
__scs_entry_jumppad:
0x0: {  	(pc) =	sbr.rel $0x88, $3  }
0x1: {  	(tag) =	ssettag $0x0;
	lr =	simm.s32 $0x1  }
0x2: {  	[smem:$0x3F9F] =	sst lr;
	_ =	strace $0xD0000000  }
0x3: {  	_ = 	snop  }
0x4: {  	_ = 	snop  }
0x5: {  	_ = 	snop  }
0x6: {  	_ = 	snop  }
0x7: {  	_ = 	snop  }
__scs_overlays_trampoline_lowered:
0x8: {  	[smem:$0x3FAE] =	sst s0  }
0x9: {  	[smem:$0x3FAF] =	sst s1  }
0xa: {  	[smem:$0x3FB0] =	sst s2  }
0xb: {  	[smem:$0x3FB1] =	sst s3  }
0xc: {  	[smem:$0x3FB2] =	sst s4  }
0xd: {  	[smem:$0x3FB3] =	sst s5  }
0xe: {  	[smem:$0x3FB4] =	sst s6  }
0xf: {  	[smem:$0x3FB5] =	sst s7  }
0x10: {  	[smem:$0x3FB6] =	sst s8  }
0x11: {  	[smem:$0x3FB7] =	sst s9;
	s0 =	simm.s32 @!p0 $0x0  }
0x12: {  	s1 =	sld [smem:$0x3F9D];
	s0 =	simm.s32 @p0 $0x1  }
0x13: {  	[smem:$0x3FB8] =	sst s0;
	s0 =	simm.s32 @!p1 $0x0  }
0x14: {  	s2 =	sld [smem:$0x3F9C];
	s0 =	simm.s32 @p1 $0x1  }
0x15: {  	[smem:$0x3FB9] =	sst s0;
	s0 =	simm.s32 @!p2 $0x0  }
0x16: {  	s3 =	sld [smem:$0x3FDB];
	s0 =	simm.s32 @p2 $0x1  }
0x17: {  	s4 =	simm.s32 $0x1BF5;
	[smem:$0x3FBB] =	sst s0  }
0x18: {  	s0 =	sld [smem:$0x3F9E];
	_ =	swait.ge [sflag:s4], $0x0  }
0x19: {  	s7 =	sld [smem:$0x3F9F]  }
0x1a: {  	s8 =	sadd.s32 $0xFFFFE003, lr  }
0x1b: {  	s9 =	sadd.s32 $0xFFFFFEF7, lr;
	s5 =	simm.s32 $0xFFFFFFFF;
	p2 =	slt.u32 s8, $0xFFFFF086  }
0x1c: {  	p1 =	slt.u32 s9, $0xF7A;
	s5 =	simm.s32 @!p2 $0x0  }
0x1d: {  	s5 =	simm.s32 @p1 $0x1;
	p0 =	seq.s32 s7, s2  }
0x1e: {  	s7 =	smul.u32 @!p0 $0xF7A, s2;
	p2 =	seq.s32 @!p0 s5, $0x0  }
0x1f: {  	s9 =	smul.u32 $0xF7A, s1;
	s8 =	simm.s32 @!p0 $0x1BF5;
	p2 =	por !p2, p0  }
0x20: {  	[sflag:s8] =	ssyncset.s32 @!p0 $0xFFFFF086;
	s6 =	sadd.s32 @!p0 s3, s7;
	s7 =	simm.s32 @!p0 $0x108  }
0x21: {  	s3 =	sadd.s32 s3, s9;
	s6 =	sadd.s32 @!p0 $0x88, s6;
	s7 =	simm.s32 @p2 $0x1082  }
0x22: {  	[simem:s7], [sflag:s8] =	dma.local @!p0 [hbm:s6], $0xF7A  }
0x23: {  	s9 =	sor.u32 $0xD0000000, s2;
	s6 =	simm.s32 $0x108;
	_ =	swait.ge @!p0 [sflag:s8], $0x0  }
0x24: {  	s3 =	sadd.s32 $0x88, s3;
	s6 =	simm.s32 @!p1 $0x1082;
	[sflag:s4] =	ssyncset.s32 $0xFFFFF086  }
0x25: {  	[simem:s6], [sflag:s4] =	dma.local [hbm:s3], $0xF7A  }
0x26: {  	[smem:$0x3F9F] =	sst s1;
	(tag) =	ssettag s2;
	_ =	strace s9  }
0x27: {  	s1 =	sld [smem:$0x3FAF]  }
0x28: {  	s2 =	sld [smem:$0x3FB0]  }
0x29: {  	s4 =	sld [smem:$0x3FB2]  }
0x2a: {  	p0 =	seq.s32 s5, $0x0;
	s5 =	sld [smem:$0x3FB3]  }
0x2b: {  	s6 =	sld [smem:$0x3FB4]  }
0x2c: {  	s7 =	sld [smem:$0x3FB5]  }
0x2d: {  	s3 =	simm.s32 $0x108;
	s8 =	sld [smem:$0x3FB6]  }
0x2e: {  	s3 =	simm.s32 @!p0 $0x1082;
	s9 =	sld [smem:$0x3FB7]  }
0x2f: {  	lr =	sadd.s32 s0, s3;
	s0 =	sld [smem:$0x3FAE]  }
0x30: {  	s3 =	sld [smem:$0x3FB1]  }
0x31: {  	[smem:$0x3FBA] =	sst s10  }
0x32: {  	s10 =	sld [smem:$0x3FB8];
	_ =	sdelay $0x3  }
0x33: {  	p0 =	seq.s32 s10, $0x1;
	s10 =	sld [smem:$0x3FBA];
	_ =	sdelay $0x3  }
0x34: {  	[smem:$0x3FBA] =	sst s10  }
0x35: {  	s10 =	sld [smem:$0x3FB9];
	_ =	sdelay $0x3  }
0x36: {  	p1 =	seq.s32 s10, $0x1;
	s10 =	sld [smem:$0x3FBA];
	_ =	sdelay $0x3  }
0x37: {  	[smem:$0x3FBA] =	sst s10  }
0x38: {  	s10 =	sld [smem:$0x3FBB]  }
0x39: {  	_ = 	snop;
	(pc) =	sbr.ind lr, $3  }
0x3a: {  	_ = 	snop  }
0x3b: {  	_ = 	snop  }
0x3c: {  	p2 =	seq.s32 s10, $0x1;
	s10 =	sld [smem:$0x3FBA]  }
0x3d: {  	_ =	shalt  }
0x3e: {  	_ =	shalt  }
0x3f: {  	_ =	shalt  }
0x40: {  	_ =	shalt  }
0x41: {  	_ =	shalt  }
0x42: {  	_ =	shalt  }
0x43: {  	_ =	shalt  }
0x44: {  	_ =	shalt  }
0x45: {  	_ =	shalt  }
0x46: {  	_ =	shalt  }
0x47: {  	_ =	shalt  }
0x48: {  	_ =	shalt  }
0x49: {  	_ =	shalt  }
0x4a: {  	_ =	shalt  }
0x4b: {  	_ =	shalt  }
0x4c: {  	_ =	shalt  }
0x4d: {  	_ =	shalt  }
0x4e: {  	_ =	shalt  }
0x4f: {  	_ =	shalt  }
0x50: {  	_ =	shalt  }
0x51: {  	_ =	shalt  }
0x52: {  	_ =	shalt  }
0x53: {  	_ =	shalt  }
0x54: {  	_ =	shalt  }
0x55: {  	_ =	shalt  }
0x56: {  	_ =	shalt  }
0x57: {  	_ =	shalt  }
0x58: {  	_ =	shalt  }
0x59: {  	_ =	shalt  }
0x5a: {  	_ =	shalt  }
0x5b: {  	_ =	shalt  }
0x5c: {  	_ =	shalt  }
0x5d: {  	_ =	shalt  }
0x5e: {  	_ =	shalt  }
0x5f: {  	_ =	shalt  }
0x60: {  	_ =	shalt  }
0x61: {  	_ =	shalt  }
0x62: {  	_ =	shalt  }
0x63: {  	_ =	shalt  }
0x64: {  	_ =	shalt  }
0x65: {  	_ =	shalt  }
0x66: {  	_ =	shalt  }
0x67: {  	_ =	shalt  }
0x68: {  	_ =	shalt  }
0x69: {  	_ =	shalt  }
0x6a: {  	_ =	shalt  }
0x6b: {  	_ =	shalt  }
0x6c: {  	_ =	shalt  }
0x6d: {  	_ =	shalt  }
0x6e: {  	_ =	shalt  }
0x6f: {  	_ =	shalt  }
0x70: {  	_ =	shalt  }
0x71: {  	_ =	shalt  }
0x72: {  	_ =	shalt  }
0x73: {  	_ =	shalt  }
0x74: {  	_ =	shalt  }
0x75: {  	_ =	shalt  }
0x76: {  	_ =	shalt  }
0x77: {  	_ =	shalt  }
0x78: {  	_ =	shalt  }
0x79: {  	_ =	shalt  }
0x7a: {  	_ =	shalt  }
0x7b: {  	_ =	shalt  }
0x7c: {  	_ =	shalt  }
0x7d: {  	_ =	shalt  }
0x7e: {  	_ =	shalt  }
0x7f: {  	_ =	shalt  }
0x80: {  	_ =	shalt  }
0x81: {  	_ =	shalt  }
0x82: {  	_ =	shalt  }
0x83: {  	_ =	shalt  }
0x84: {  	_ =	shalt  }
0x85: {  	_ =	shalt  }
0x86: {  	_ =	shalt  }
0x87: {  	_ =	shalt  }
.Lfunc_end0:
.L_simem_size_0:
called_computation_lowered:
.L_overlay_start_0:
0x88: {  	s2 =	sld [smem:$0x3FD9]  }
0x89: {  	s3 =	sld [smem:$0x3FFE];
	_ =	sdelay $0x1  }
0x8a: {  	s1 =	srdreg.scid  }
0x8b: {  	s0 =	sand.u32 $0x1, s1  }
0x8c: {  	s17 =	sshll.u32 s0, $0xA;
	s2 =	sadd.s32 s3, s2  }
0x8d: {  	s2 =	sadd.s32 s2, s17  }
0x8e: {  	[smem:$0x3FC6] =	sst s2  }
0x8f: {  	_ = 	snop  }
0x90: {  	s2 =	sld [smem:$0x3FC8];
	(tm) =	ssettm $0x1  }
0x91: {  	s18 =	sld [smem:$0x3FFB];
	_ =	sdelay $0x3  }
0x92: {  	_ =	strace s18  }
0x93: {  	s3 =	sld [smem:$0x3FFC];
	_ =	sdelay $0x3  }
0x94: {  	_ =	strace s3  }
0x95: {  	s3 =	sld [smem:$0x3FFD];
	_ =	sdelay $0x3  }
0x96: {  	_ =	strace s3  }
0x97: {  	_ =	strace $0x8FFFFFFF  }
0x98: {  	s19 =	sld [smem:$0x3FDB];
	_ =	sdelay $0x1  }
0x99: {  	s4 =	simm.s32 $_scs_section_size  }
0x9a: {  	s5 =	simm.s32 $_size__tile_overlayer_lowered;
	s6 =	simm.s32 $_tile_overlayer_lowered  }
0x9b: {  	s22 =	simm.s32 $0x1BFF;
	s21 =	sshll.u32 s6, $0x1;
	s3 =	sadd.s32 s4, s19  }
0x9c: {  	s7 =	simm.s32 $0x0;
	s20 =	sshll.u32 s5, $0x1;
	s5 =	sadd.s32 s21, s3  }
0x9d: {  	[timem:s7], [sflag:s22] =	dma.local [hbm:s5], s20  }
0x9e: {  	_ =	swait.ge [sflag:s22], s20  }
0x9f: {  	s4 =	ssub.s32 $0x0, s20;
	[sflag:s22] =	ssyncset.done $0x0  }
0xa0: {  	[sflag:s22] =	ssyncadd.s32 s4;
	_ =	sdelay $0x1  }
0xa1: {  	s23 =	simm.s32 $0x1B8B  }
0xa2: {  	_ =	swait.ge [sflag:s23], $0x1  }
0xa3: {  	[sflag:s23] =	ssyncset.done $0x0  }
0xa4: {  	s25 =	simm.s32 $0x1B8E;
	s24 =	sld [smem:$0x3FFE];
	[sflag:s23] =	ssyncadd.s32 $0xFFFFFFFF  }
0xa5: {  	s26 =	simm.s32 $execute0_lowered;
	[smem:$0x3FD2] =	sst s25  }
0xa6: {  	s5 =	sshll.u32 s26, $0x1;
	_ =	strace $0x80000046;
	[dreg:$0x1] =	wrdreg $0xFFFFFFFF  }
0xa7: {  	s28 =	simm.s32 $_size_execute0_lowered;
	s3 =	sadd.s32 s3, s5;
	[dreg:$0x0] =	wrdreg $0x0  }
0xa8: {  	s5 =	sshll.u32 s28, $0x1;
	[dreg:$0x2] =	wrdreg s3  }
0xa9: {  	[dreg:$0x3] =	wrdreg s5  }
0xaa: {  	[dreg:$0x4] =	wrdreg $0xC0  }
0xab: {  	_ =	task [dreg:s7], $0x5FFFF  }
0xac: {  	[dreg:$0x1] =	wrdreg $0xFFFFFFFF  }
0xad: {  	[dreg:$0x0] =	wrdreg $0x60  }
0xae: {  	[dreg:$0x2] =	wrdreg s2  }
0xaf: {  	[dreg:$0x3] =	wrdreg s24  }
0xb0: {  	[dreg:$0x4] =	wrdreg $0x9  }
0xb1: {  	_ =	task.clear_ibuf [dreg:s7], $0x5FFFF;
	_ =	strace $0x90000046  }
0xb2: {  	s29 =	simm.s32 $0x9;
	_ =	strace $0x80000048  }
0xb3: {  	_ =	swait.ge [sflag:s29], $0x1  }
0xb4: {  	[sflag:s29] =	ssyncadd.s32 $0xFFFFFFFF  }
0xb5: {  	_ =	strace $0x90000048  }
0xb6: {  	_ =	sfence  }
0xb7: {  	s30 =	sld [smem:$0x0];
	_ =	sdelay $0x2  }
0xb8: {  	s31 =	sshll.u32 s1, $0xD;
	s1 =	sshrl.u32 s1, $0x2  }
0xb9: {  	s3 =	sand.u32 $0x4000, s31;
	s1 =	sadd.s32 s1, s30  }
0xba: {  	s0 =	sor.u32 s3, s0;
	s1 =	sshll.u32 s1, $0x11  }
0xbb: {  	s0 =	sor.u32 s1, s0  }
0xbc: {  	s0 =	sadd.s32 $0x8F2B, s0  }
0xbd: {  	[sflag:s0] =	ssyncadd.remote.s32 $0x1  }
0xbe: {  	_ =	sfence.sel $0xFFFF  }
0xbf: {  	[dreg:$0x0] =	wrdreg $0xFFFFFFFF;
	(pc) =	sbr.abs _section_cstart, $3  }
0xc0: {  	[dreg:$0x1] =	wrdreg $0xFFFFFFFF  }
0xc1: {  	_ =	task.clear_ibuf [dreg:s7], $0x2FFFF;
	_ =	strace $0x9FFFFFFF  }
0xc2: {  	(tm) =	ssettm $0x7FFFFFFF  }
0xc3: {  	_ =	shalt  }
tec
execute0_lowered:
.L_overlay_start_1:
0x0: {  	(tag) =	ssettag $0x1  }
0x1: {  	s2 =	rddreg [dreg:$0x0]  }
0x2: {  	s8 =	rddreg [dreg:$0x1]  }
0x3: {  	s0 =	rddreg [dreg:$0x2];
	s1 =	stileid.u32  }
0x4: {  	s3 =	srdreg.scid;
	_ =	strace $0x80000047;
	s4 =	simm.s32 $0x1  }
0x5: {  	s7 =	simm.s32 $0x1;
	s9 =	simm.s32 $0x1;
	s10 =	simm.s32 $0x3  }
0x6: {  	s13 =	simm.s32 $0x0;
	s5 =	sand.u32 $0x1, s3;
	s6 =	sshll.u32 s1, $0x1  }
0x7: {  	s12 =	simm.s32 $0x0;
	s3 =	sadd.s32 $0x1400, s8;
	s5 =	sor.u32 s6, s5  }
.Ltmp0:
0x8: {  	[sflag:s4] =	ssyncpa.u1 $0x0;
	p0 =	slt.u32 s5, $0x9;
	(pc) =	sbr.rel .LBB2_1-.Ltmp0, $4  }
0x9: {  	s6 =	simm.s32 $0x2;
	s7 =	simm.s32 @!p0 $0x0;
	p0 =	sne.s32 s5, $0x8  }
0xa: {  	[sflag:s6] =	ssyncpa.u1 $0x0;
	s5 =	smul.u32 $0x7D0, s5;
	s9 =	simm.s32 @!p0 $0x0  }
0xb: {  	s8 =	sadd.s32 $0x4600, s8;
	[sflag:s10] =	ssyncpa.u1 $0x0;
	s7 =	sadd.s32 s9, s7  }
0xc: {  	vm0 =	vmmov $0xffff;
	s10 =	simm.s32 $0x0;
	s11 =	smov.u32 s5;
	s9 =	sadd.s32 $0x1, s7  }
.LBB2_4:
0xd: {  	v6 =	vand.u32 $0x7F, v3;
	v4 =	vsel vm1, $0xFFFFB000, v4  }
0xe: {  	v5 =	vmul.u32 $0x5000, v5;
	vm1 =	vmmov vm2;
	v56 =	vshll.u32 v3, $0x2  }
0xf: {  	v7 =	vand.u32 $0x7, v1;
	v2 =	vshll.u32 v2, $0x7;
	v57 =	vshrl.u32 v1, $0x3  }
0x10: {  	v58 =	vshrl.u32 v1, $0x5;
	v4 =	vor.u32 v4, v6;
	v3 =	vand.u32 $0xFFFFFE00, v56  }
0x11: {  	v2 =	vand.u32 $0x180, v2;
	v4 =	vadd.s32 v5, v4;
	v5 =	vand.u32 $0x3, v57  }
0x12: {  	v1 =	vand.u32 $0x1FFF, v58;
	v59 =	vmul.u32 $0x5000, v7;
	v5 =	vsel vm1, $0xFFFFFFFF, v5  }
0x13: {  	v1 =	vsel vm1, $0xFFFFFFFF, v1;
	v3 =	vadd.s32 v3, v4;
	v60 =	vshrl.u32 v5, $0x2  }
0x14: {  	v61 =	vand.u32 $0x7F, v1;
	v6 =	vsel vm1, $0xFFFFB000, v59;
	v4 =	vmul.u32 $0x5000, v60  }
0x15: {  	v1 =	vshll.u32 v1, $0x2;
	v2 =	vor.u32 v2, v3;
	v62 =	vor.u32 v6, v61  }
0x16: {  	v1 =	vand.u32 $0xFFFFFE00, v1;
	v5 =	vshll.u32 v5, $0x7;
	v3 =	vadd.s32 v4, v62  }
0x17: {  	v63 =	vand.u32 $0x180, v5;
	v1 =	vadd.s32 v1, v3  }
0x18: {  	(ifvalue) =	ssetifvalue $0x7FFFFFFF;
	s15 =	sadd.s32 $0x10, s15;
	v1 =	vor.u32 v63, v1  }
0x19: {  	[tilespmem:s15], [sflag:$0x1] =	stream.indirect_vreg.gather [hbm4b:s2+s10], $0x1, v0, vm0, $0x4038;
	[tilespmem:$0x1F40] =	vst v63  }
0x1a: {  	(ifvalue) =	ssetifvalue $0x7FFFFFFF;
	s15 =	sadd.s32 $0x10, s15  }
0x1b: {  	[tilespmem:s15], [sflag:$0x1] =	stream.indirect_vreg.gather [hbm4b:s2+s10], $0x1, v2, vm0, $0x4038;
	[tilespmem:$0x1F40] =	vst v63  }
0x1c: {  	(ifvalue) =	ssetifvalue $0x7FFFFFFF;
	s15 =	sadd.s32 $0x10, s15  }
0x1d: {  	[tilespmem:s15], [sflag:$0x1] =	stream.indirect_vreg.gather [hbm4b:s2+s10], $0x1, v1, vm0, $0x4038;
	[tilespmem:$0x1F40] =	vst v63  }
0x1e: {  	_ =	swait.ge [sflag:s4], $0x7D0  }
0x1f: {  	s30 =	sshrl.u32 s13, $0x3;
	[sflag:s4] =	ssyncset.done $0x0  }
0x20: {  	s31 =	sand.u32 $0x7, s13;
	s15 =	sadd.s32 s8, s30;
	[sflag:s4] =	ssyncadd.s32 $0xFFFFF830  }
0x21: {  	[hbm4b:s15+s31] =	stream.linear.scatter [tilespmem:s14], [sflag:$0x3], $0x7D0, $0x38;
	[tilespmem:$0x1F40] =	vst v63  }
.LBB2_5:
0x22: {  	s15 =	sadd.s32 $0xFA00, s11  }
0x23: {  	p1 =	sgt.s32 s15, $0x1387F  }
0x24: {  	s15 =	smov.u32 @p1 s5;
	p1 =	sne.s32 s12, s9  }
.Ltmp1:
0x25: {  	p0 =	slt.u32 s12, $0x2;
	(pc) =	sbr.rel @!p1 .LBB2_6-.Ltmp1, $4  }
0x26: {  	s14 =	simm.s32 @!p0 $0x3  }
0x27: {  	_ =	swait.ge @!p0 [sflag:s14], $0x7D0  }
0x28: {  	s16 =	sadd.s32 $0x1, s12;
	s13 =	smov.u32 s11;
	[sflag:s14] =	ssyncset.done @!p0 $0x0  }
0x29: {  	s12 =	smov.u32 s16;
	s11 =	smov.u32 s15;
	[sflag:s14] =	ssyncadd.s32 @!p0 $0xFFFFF830  }
.LBB2_1:
0x2a: {  	p0 =	sge.u32 s12, s7  }
0x2b: {  	s14 =	sxor.u32 @!p0 $0x1, s12  }
0x2c: {  	s14 =	smul.u32 @!p0 $0x1F40, s14  }
0x2d: {  	s31 =	sadd.s32 $0xFFFFFFFF, s12;
	s15 =	sshrl.u32 @!p0 s11, $0x3  }
0x2e: {  	s16 =	sand.u32 @!p0 $0x7, s11;
	s15 =	sadd.s32 @!p0 s3, s15;
	s14 =	sshra.s32 @!p0 s14, $0x2  }
0x2f: {  	[tilespmem:s14], [sflag:$0x2] =	stream.linear.gather @!p0 [hbm4b:s15+s16], $0x7D0, $0x38;
	[tilespmem:$0x1F40] =	vst v63  }
0x30: {  	p0 =	sge.u32 s31, s7  }
.Ltmp2:
0x31: {  	_ = 	snop;
	(pc) =	sbr.rel @p0 .LBB2_5-.Ltmp2, $1  }
0x32: {  	_ =	sdelay $0x3  }
0x33: {  	s14 =	sand.u32 $0x1, s12  }
0x34: {  	_ =	swait.ge [sflag:s6], $0x7D0;
	p0 =	seq.s32 s14, $0x1;
	s14 =	simm.s32 $0x7D0  }
0x35: {  	[sflag:s6] =	ssyncset.done $0x0;
	s14 =	simm.s32 @!p0 $0x0  }
0x36: {  	[sflag:s6] =	ssyncadd.s32 $0xFFFFF830;
	(ifvalue) =	ssetifvalue $0x7FFFFFFF;
	v0 =	vld.msk [tilespmem:s14+$0x0 ss:$0x1], $0xffff;
	_ =	sdelay $0x1  }
0x37: {  	s15 =	sadd.s32 $0x10, s14  }
0x38: {  	v1 =	vld.msk [tilespmem:s15+$0x0 ss:$0x1], $0xffff;
	s15 =	sadd.s32 $0x10, s15  }
0x39: {  	v6 =	vld.msk [tilespmem:s15+$0x0 ss:$0x1], $0xffff  }
0x3a: {  	vm1 =	veq.s32 v0, $0x80000000;
	v2 =	vand.u32 $0x7, v0  }
0x3b: {  	v3 =	vshrl.u32 v0, $0x3;
	v0 =	vshrl.u32 v0, $0x5;
	vm1 =	vmmov vm1  }
0x3c: {  	v3 =	vand.u32 $0x3, v3;
	v0 =	vand.u32 $0x1FFF, v0;
	v2 =	vmul.u32 $0x5000, v2  }
0x3d: {  	vm2 =	veq.s32 v1, $0x80000000;
	v7 =	vand.u32 $0x7, v1;
	v3 =	vsel vm1, $0xFFFFFFFF, v3  }
0x3e: {  	v0 =	vsel vm1, $0xFFFFFFFF, v0;
	v8 =	vand.u32 $0x7, v6;
	v4 =	vshrl.u32 v3, $0x2  }
0x3f: {  	v5 =	vand.u32 $0x7F, v0;
	v2 =	vsel vm1, $0xFFFFB000, v2;
	vm1 =	vmmov vm2  }
0x40: {  	v0 =	vshll.u32 v0, $0x2;
	v3 =	vshll.u32 v3, $0x7;
	v4 =	vmul.u32 $0x5000, v4  }
0x41: {  	v2 =	vor.u32 v2, v5;
	v0 =	vand.u32 $0xFFFFFE00, v0;
	v3 =	vand.u32 $0x180, v3  }
0x42: {  	v2 =	vadd.s32 v4, v2;
	v4 =	vshrl.u32 v1, $0x3;
	v1 =	vshrl.u32 v1, $0x5  }
0x43: {  	v0 =	vadd.s32 v0, v2;
	v2 =	vand.u32 $0x3, v4;
	v1 =	vand.u32 $0x1FFF, v1  }
0x44: {  	v0 =	vor.u32 v3, v0;
	v2 =	vsel vm1, $0xFFFFFFFF, v2;
	v3 =	vmul.u32 $0x5000, v7  }
0x45: {  	vm2 =	veq.s32 v6, $0x80000000;
	v4 =	vsel vm1, $0xFFFFFFFF, v1;
	v1 =	vshrl.u32 v2, $0x2  }
0x46: {  	s15 =	sadd.s32 $0x10, s15;
	v5 =	vand.u32 $0x7F, v4;
	v3 =	vsel vm1, $0xFFFFB000, v3;
	v7 =	vmul.u32 $0x5000, v1  }
0x47: {  	v4 =	vshll.u32 v4, $0x2;
	v2 =	vshll.u32 v2, $0x7;
	v1 =	vld.msk [tilespmem:s15+$0x0 ss:$0x1], $0xffff;
	v3 =	vor.u32 v3, v5  }
0x48: {  	vm1 =	vmmov vm2;
	v4 =	vand.u32 $0xFFFFFE00, v4;
	v3 =	vadd.s32 v7, v3  }
0x49: {  	s14 =	sadd.s32 $0xFA0, s14;
	(ifvalue) =	ssetifvalue $0x7FFFFFFF;
	v2 =	vand.u32 $0x180, v2;
	v5 =	vshrl.u32 v6, $0x3;
	v3 =	vadd.s32 v4, v3  }
0x4a: {  	[tilespmem:s14], [sflag:$0x1] =	stream.indirect_vreg.gather [hbm4b:s2+s10], $0x1, v0, vm0, $0x4038;
	v4 =	vand.u32 $0x3, v5;
	v5 =	vshrl.u32 v6, $0x5;
	v0 =	vor.u32 v2, v3;
	[tilespmem:$0x1F40] =	vst v63  }
0x4b: {  	v2 =	vsel vm1, $0xFFFFFFFF, v4;
	v3 =	vand.u32 $0x1FFF, v5;
	v4 =	vmul.u32 $0x5000, v8  }
0x4c: {  	s16 =	simm.s32 $0x30;
	s17 =	sadd.s32 $0x10, s15;
	s15 =	smov.u32 s14;
	vm2 =	veq.s32 v1, $0x80000000;
	v3 =	vsel vm1, $0xFFFFFFFF, v3;
	v5 =	vshrl.u32 v2, $0x2  }
.LBB2_3:
0x4d: {  	v7 =	vand.u32 $0x7F, v3  }
0x4e: {  	v6 =	vld.msk [tilespmem:s17+$0x0 ss:$0x1], $0xffff;
	v4 =	vsel vm1, $0xFFFFB000, v4;
	v5 =	vmul.u32 $0x5000, v5;
	vm1 =	vmmov vm2;
	s16 =	sadd.s32 $0x10, s16  }
0x4f: {  	v8 =	vand.u32 $0x7, v1;
	v3 =	vshll.u32 v3, $0x2;
	s15 =	sadd.s32 $0x10, s15;
	v4 =	vor.u32 v4, v7;
	(ifvalue) =	ssetifvalue $0x7FFFFFFF;
	p0 =	slt.u32 s16, $0x7C0  }
0x50: {  	[tilespmem:s15], [sflag:$0x1] =	stream.indirect_vreg.gather [hbm4b:s2+s10], $0x1, v0, vm0, $0x4038;
	[tilespmem:$0x1F40] =	vst v63  }
.Ltmp3:
0x51: {  	v2 =	vshll.u32 v2, $0x7;
	v3 =	vand.u32 $0xFFFFFE00, v3;
	v4 =	vadd.s32 v5, v4;
	(pc) =	sbr.rel @p0 .LBB2_3-.Ltmp3, $4  }
0x52: {  	v2 =	vand.u32 $0x180, v2;
	v0 =	vshrl.u32 v1, $0x3;
	v3 =	vadd.s32 v3, v4  }
0x53: {  	v9 =	vshrl.u32 v1, $0x5;
	v4 =	vand.u32 $0x3, v0;
	v0 =	vor.u32 v2, v3  }
0x54: {  	v7 =	vand.u32 $0x1FFF, v9;
	v2 =	vsel vm1, $0xFFFFFFFF, v4;
	v4 =	vmul.u32 $0x5000, v8  }
0x55: {  	s17 =	sadd.s32 $0x10, s17;
	v3 =	vsel vm1, $0xFFFFFFFF, v7;
	vm2 =	veq.s32 v6, $0x80000000;
	v5 =	vshrl.u32 v2, $0x2;
	v1 =	vmovc v6  }
.Ltmp4:
0x56: {  	_ = 	snop;
	(pc) =	sbr.rel .LBB2_4-.Ltmp4, $1  }
0x57: {  	_ =	sdelay $0x3  }
.LBB2_6:
0x58: {  	_ =	sfence.sel $0x180000  }
0x59: {  	s2 =	simm.s32 $0x2;
	[bflag:$0x0] =	sbarrier.arrive $0xFFFF  }
0x5a: {  	s30 =	simm.s32 $0x3;
	[sflag:s2] =	ssyncpa.u1 $0x1  }
0x5b: {  	s31 =	simm.s32 $0x1;
	[sflag:s30] =	ssyncpa.u1 $0x1  }
0x5c: {  	[sflag:s31] =	ssyncpa.u1 $0x1  }
0x5d: {  	p0 =	sne.s32 s1, $0x0;
	_ =	strace $0x90000047  }
0x5e: {  	s0 =	sadd.s32 @!p0 $0x100000, s0;
	[bflag:$0x2] =	sbarrier.arrive $0xFFFF  }
0x5f: {  	[sflag:s0] =	ssyncadd.tile.s32 @!p0 $0x1;
	_ =	shalt  }
.Lfunc_end2:
_tile_overlayer_lowered:
.L_overlay_start_2:
0x60: {  	(tag) =	ssettag $0x2  }
0x61: {  	s0 =	rddreg [dreg:$0x0];
	s2 =	stileid.u32  }
0x62: {  	s1 =	rddreg [dreg:$0x1];
	p0 =	sne.s32 s2, $0x0  }
0x63: {  	s3 =	rddreg [dreg:$0x2];
	[bflag:$0x3] =	sbarrier.arrive $0xFFFF;
	s2 =	simm.s32 @!p0 $0x1C01  }
0x64: {  	[timem:s3], [sflag:s2] =	dma.local @!p0 [hbm:s0], s1  }
0x65: {  	s0 =	simm.s32 @!p0 $0x1  }
0x66: {  	_ =	swait.ge @!p0 [sflag:s0], s1  }
0x67: {  	s1 =	ssub.s32 @!p0 $0x0, s1;
	[sflag:s0] =	ssyncset.done @!p0 $0x0  }
0x68: {  	[sflag:s0] =	ssyncadd.s32 @!p0 s1  }
0x69: {  	[bflag:$0x3] =	sbarrier.arrive $0xFFFF  }
0x6a: {  	_ =	shalt  }

</sc_bundles>
